<compile_context>
chip_gen: v7x
topology: tpu7x:2x2x1
jax: 0.10.2.dev20260603
libtpu: 0.0.44.dev20260713+nightly
codegen_flags: <defaults>
</compile_context>

<pallas_src>
import jax
import jax.numpy as jnp
from jax import lax
from jax.experimental import pallas as pl
from jax.experimental.pallas import tpu as pltpu
from jax.experimental.pallas import tpu_sc as plsc

_ROWS = 100000
_DIM = 128
_CHUNK = 400
_NCHUNKS = _ROWS // _CHUNK
_NC = 2
_NW = 32
_FULL = _NCHUNKS // _NW
_REM = _NCHUNKS - _FULL * _NW


def _sc_body(in_hbm, out_hbm, buf0, buf1, isem0, isem1, osem0, osem1):
    wid = lax.axis_index("s") * _NC + lax.axis_index("c")
    bufs, isems, osems = (buf0, buf1), (isem0, isem1), (osem0, osem1)

    def src(k):
        return in_hbm.at[pl.ds((wid + k * _NW) * _CHUNK, _CHUNK)]

    def dst(k):
        return out_hbm.at[pl.ds((wid + k * _NW) * _CHUNK, _CHUNK)]

    def start_in(k):
        pltpu.async_copy(src(k), bufs[k % 2], isems[k % 2])

    def wait_in(k):
        pltpu.make_async_copy(src(k), bufs[k % 2], isems[k % 2]).wait()

    def start_out(k):
        pltpu.async_copy(bufs[k % 2], dst(k), osems[k % 2])

    def wait_out(k):
        pltpu.make_async_copy(bufs[k % 2], dst(k), osems[k % 2]).wait()

    start_in(0)
    for k in range(_FULL):
        wait_in(k)
        start_out(k)
        if k >= 1:
            wait_out(k - 1)
        if k + 1 < _FULL:
            start_in(k + 1)
        else:
            @pl.when(wid < _REM)
            def _():
                start_in(_FULL)

    @pl.when(wid < _REM)
    def _():
        wait_in(_FULL)
        start_out(_FULL)
        wait_out(_FULL - 1)
        wait_out(_FULL)

    @pl.when(wid >= _REM)
    def _():
        wait_out(_FULL - 1)


def kernel(weight):
    mesh = plsc.VectorSubcoreMesh(core_axis_name="c", subcore_axis_name="s")
    f = pl.kernel(
        _sc_body,
        mesh=mesh,
        out_type=jax.ShapeDtypeStruct((_ROWS, _DIM), jnp.float32),
        scratch_types=[
            pltpu.VMEM((_CHUNK, _DIM), jnp.float32),
            pltpu.VMEM((_CHUNK, _DIM), jnp.float32),
            pltpu.SemaphoreType.DMA,
            pltpu.SemaphoreType.DMA,
            pltpu.SemaphoreType.DMA,
            pltpu.SemaphoreType.DMA,
        ],
    )
    return f(weight)

# --- scband reference (transcript-rebuilt; emitter-appended) ---
"""Pipeline reference for scband-label-embeddings-70334384439717 (READ-ONLY COPY).

The authoritative reference and input builder live on the scoring server;
editing this copy changes nothing except your own understanding.
"""

import jax, jax.numpy as jnp
import numpy as np

NUM_CLASSES = 100000
EMBEDDING_DIM = 128

def setup_inputs(seed: int = 0) -> dict:
    key = jax.random.key(seed)
    # Learned parameter: embedding table initialized N(0, 0.01) as in the torch module
    weight = jax.random.normal(key, (NUM_CLASSES, EMBEDDING_DIM), dtype=jnp.float32) * 0.01
    return {"weight": weight}

def reference(weight):
    # forward() simply returns the full embedding weight matrix
    return weight

if __name__ == "__main__":
    import jax
    _d = setup_inputs()
    print(jax.jit(kernel)(*tuple(_d.values())))

</pallas_src>

<mosaic_0001>
#map = affine_map<(d0, d1) -> (0, 0)>
module attributes {stable_mosaic.version = 14 : i64} {
  func.func @_sc_body(%arg0: i32, %arg1: i32, %arg2: memref<100000x128xf32, #tpu.memory_space<hbm>>, %arg3: memref<100000x128xf32, #tpu.memory_space<hbm>>, %arg4: memref<400x128xf32, #tpu.memory_space<vmem>>, %arg5: memref<400x128xf32, #tpu.memory_space<vmem>>, %arg6: memref<!tpu.dma_semaphore, #tpu.memory_space<semaphore_mem>>, %arg7: memref<!tpu.dma_semaphore, #tpu.memory_space<semaphore_mem>>, %arg8: memref<!tpu.dma_semaphore, #tpu.memory_space<semaphore_mem>>, %arg9: memref<!tpu.dma_semaphore, #tpu.memory_space<semaphore_mem>>) attributes {dimension_semantics = [#tpu.dimension_semantics<core_parallel>, #tpu.dimension_semantics<subcore_parallel>], iteration_bounds = array<i64: 2, 16>, scalar_prefetch = 0 : i64, scratch_operands = 6 : i64, tpu.core_type = #tpu.core_type<sc_vector_subcore>, window_params = [{transform_indices = #map}, {transform_indices = #map}]} {
    %mul3A = arith.constant 2 : i32
    %mul3A_0 = arith.muli %arg1, %mul3A : i32
    %add3A = arith.addi %mul3A_0, %arg0 : i32
    %add3A_1 = arith.constant 0 : i32
    %add3A_2 = arith.addi %add3A, %add3A_1 : i32
    %mul3A_3 = arith.constant 400 : i32
    %mul3A_4 = arith.muli %add3A_2, %mul3A_3 : i32
    %dma_start3A = arith.constant 0 : i32
    %dma_start3A_5 = tpu.memref_slice %arg2[%mul3A_4, %dma_start3A] : memref<100000x128xf32, #tpu.memory_space<hbm>> -> memref<400x128xf32, #tpu.memory_space<hbm>>
    %dma_start3A_6 = arith.constant 0 : i32
    %dma_start3A_7 = tpu.memref_slice %arg2[%mul3A_4, %dma_start3A_6] : memref<100000x128xf32, #tpu.memory_space<hbm>> -> memref<400x128xf32, #tpu.memory_space<hbm>>
    tpu.enqueue_dma source(%dma_start3A_7 : memref<400x128xf32, #tpu.memory_space<hbm>>) target(%arg4 : memref<400x128xf32, #tpu.memory_space<vmem>>) target_semaphore(%arg6 : memref<!tpu.dma_semaphore, #tpu.memory_space<semaphore_mem>>)
    %add3A_8 = arith.constant 0 : i32
    %add3A_9 = arith.addi %add3A, %add3A_8 : i32
    %mul3A_10 = arith.constant 400 : i32
    %mul3A_11 = arith.muli %add3A_9, %mul3A_10 : i32
    %dma_wait3A = arith.constant 0 : i32
    %dma_wait3A_12 = tpu.memref_slice %arg2[%mul3A_11, %dma_wait3A] : memref<100000x128xf32, #tpu.memory_space<hbm>> -> memref<400x128xf32, #tpu.memory_space<hbm>>
    %dma_wait3A_13 = arith.constant 0 : i32
    %dma_wait3A_14 = tpu.memref_slice %arg2[%mul3A_11, %dma_wait3A_13] : memref<100000x128xf32, #tpu.memory_space<hbm>> -> memref<400x128xf32, #tpu.memory_space<hbm>>
    tpu.wait_dma2 semaphore(%arg6 : memref<!tpu.dma_semaphore, #tpu.memory_space<semaphore_mem>>) src(%dma_wait3A_14 : memref<400x128xf32, #tpu.memory_space<hbm>>) dst(%arg4 : memref<400x128xf32, #tpu.memory_space<vmem>>)
    %add3A_15 = arith.constant 0 : i32
    %add3A_16 = arith.addi %add3A, %add3A_15 : i32
    %mul3A_17 = arith.constant 400 : i32
    %mul3A_18 = arith.muli %add3A_16, %mul3A_17 : i32
    %dma_start3A_19 = arith.constant 0 : i32
    %dma_start3A_20 = tpu.memref_slice %arg3[%mul3A_18, %dma_start3A_19] : memref<100000x128xf32, #tpu.memory_space<hbm>> -> memref<400x128xf32, #tpu.memory_space<hbm>>
    %dma_start3A_21 = arith.constant 0 : i32
    %dma_start3A_22 = tpu.memref_slice %arg3[%mul3A_18, %dma_start3A_21] : memref<100000x128xf32, #tpu.memory_space<hbm>> -> memref<400x128xf32, #tpu.memory_space<hbm>>
    tpu.enqueue_dma source(%arg4 : memref<400x128xf32, #tpu.memory_space<vmem>>) target(%dma_start3A_22 : memref<400x128xf32, #tpu.memory_space<hbm>>) target_semaphore(%arg8 : memref<!tpu.dma_semaphore, #tpu.memory_space<semaphore_mem>>)
    %add3A_23 = arith.constant 32 : i32
    %add3A_24 = arith.addi %add3A, %add3A_23 : i32
    %mul3A_25 = arith.constant 400 : i32
    %mul3A_26 = arith.muli %add3A_24, %mul3A_25 : i32
    %dma_start3A_27 = arith.constant 0 : i32
    %dma_start3A_28 = tpu.memref_slice %arg2[%mul3A_26, %dma_start3A_27] : memref<100000x128xf32, #tpu.memory_space<hbm>> -> memref<400x128xf32, #tpu.memory_space<hbm>>
    %dma_start3A_29 = arith.constant 0 : i32
    %dma_start3A_30 = tpu.memref_slice %arg2[%mul3A_26, %dma_start3A_29] : memref<100000x128xf32, #tpu.memory_space<hbm>> -> memref<400x128xf32, #tpu.memory_space<hbm>>
    tpu.enqueue_dma source(%dma_start3A_30 : memref<400x128xf32, #tpu.memory_space<hbm>>) target(%arg5 : memref<400x128xf32, #tpu.memory_space<vmem>>) target_semaphore(%arg7 : memref<!tpu.dma_semaphore, #tpu.memory_space<semaphore_mem>>)
    %add3A_31 = arith.constant 32 : i32
    %add3A_32 = arith.addi %add3A, %add3A_31 : i32
    %mul3A_33 = arith.constant 400 : i32
    %mul3A_34 = arith.muli %add3A_32, %mul3A_33 : i32
    %dma_wait3A_35 = arith.constant 0 : i32
    %dma_wait3A_36 = tpu.memref_slice %arg2[%mul3A_34, %dma_wait3A_35] : memref<100000x128xf32, #tpu.memory_space<hbm>> -> memref<400x128xf32, #tpu.memory_space<hbm>>
    %dma_wait3A_37 = arith.constant 0 : i32
    %dma_wait3A_38 = tpu.memref_slice %arg2[%mul3A_34, %dma_wait3A_37] : memref<100000x128xf32, #tpu.memory_space<hbm>> -> memref<400x128xf32, #tpu.memory_space<hbm>>
    tpu.wait_dma2 semaphore(%arg7 : memref<!tpu.dma_semaphore, #tpu.memory_space<semaphore_mem>>) src(%dma_wait3A_38 : memref<400x128xf32, #tpu.memory_space<hbm>>) dst(%arg5 : memref<400x128xf32, #tpu.memory_space<vmem>>)
    %add3A_39 = arith.constant 32 : i32
    %add3A_40 = arith.addi %add3A, %add3A_39 : i32
    %mul3A_41 = arith.constant 400 : i32
    %mul3A_42 = arith.muli %add3A_40, %mul3A_41 : i32
    %dma_start3A_43 = arith.constant 0 : i32
    %dma_start3A_44 = tpu.memref_slice %arg3[%mul3A_42, %dma_start3A_43] : memref<100000x128xf32, #tpu.memory_space<hbm>> -> memref<400x128xf32, #tpu.memory_space<hbm>>
    %dma_start3A_45 = arith.constant 0 : i32
    %dma_start3A_46 = tpu.memref_slice %arg3[%mul3A_42, %dma_start3A_45] : memref<100000x128xf32, #tpu.memory_space<hbm>> -> memref<400x128xf32, #tpu.memory_space<hbm>>
    tpu.enqueue_dma source(%arg5 : memref<400x128xf32, #tpu.memory_space<vmem>>) target(%dma_start3A_46 : memref<400x128xf32, #tpu.memory_space<hbm>>) target_semaphore(%arg9 : memref<!tpu.dma_semaphore, #tpu.memory_space<semaphore_mem>>)
    %add3A_47 = arith.constant 0 : i32
    %add3A_48 = arith.addi %add3A, %add3A_47 : i32
    %mul3A_49 = arith.constant 400 : i32
    %mul3A_50 = arith.muli %add3A_48, %mul3A_49 : i32
    %dma_wait3A_51 = arith.constant 0 : i32
    %dma_wait3A_52 = tpu.memref_slice %arg3[%mul3A_50, %dma_wait3A_51] : memref<100000x128xf32, #tpu.memory_space<hbm>> -> memref<400x128xf32, #tpu.memory_space<hbm>>
    %dma_wait3A_53 = arith.constant 0 : i32
    %dma_wait3A_54 = tpu.memref_slice %arg3[%mul3A_50, %dma_wait3A_53] : memref<100000x128xf32, #tpu.memory_space<hbm>> -> memref<400x128xf32, #tpu.memory_space<hbm>>
    tpu.wait_dma2 semaphore(%arg8 : memref<!tpu.dma_semaphore, #tpu.memory_space<semaphore_mem>>) src(%arg4 : memref<400x128xf32, #tpu.memory_space<vmem>>) dst(%dma_wait3A_54 : memref<400x128xf32, #tpu.memory_space<hbm>>)
    %add3A_55 = arith.constant 64 : i32
    %add3A_56 = arith.addi %add3A, %add3A_55 : i32
    %mul3A_57 = arith.constant 400 : i32
    %mul3A_58 = arith.muli %add3A_56, %mul3A_57 : i32
    %dma_start3A_59 = arith.constant 0 : i32
    %dma_start3A_60 = tpu.memref_slice %arg2[%mul3A_58, %dma_start3A_59] : memref<100000x128xf32, #tpu.memory_space<hbm>> -> memref<400x128xf32, #tpu.memory_space<hbm>>
    %dma_start3A_61 = arith.constant 0 : i32
    %dma_start3A_62 = tpu.memref_slice %arg2[%mul3A_58, %dma_start3A_61] : memref<100000x128xf32, #tpu.memory_space<hbm>> -> memref<400x128xf32, #tpu.memory_space<hbm>>
    tpu.enqueue_dma source(%dma_start3A_62 : memref<400x128xf32, #tpu.memory_space<hbm>>) target(%arg4 : memref<400x128xf32, #tpu.memory_space<vmem>>) target_semaphore(%arg6 : memref<!tpu.dma_semaphore, #tpu.memory_space<semaphore_mem>>)
    %add3A_63 = arith.constant 64 : i32
    %add3A_64 = arith.addi %add3A, %add3A_63 : i32
    %mul3A_65 = arith.constant 400 : i32
    %mul3A_66 = arith.muli %add3A_64, %mul3A_65 : i32
    %dma_wait3A_67 = arith.constant 0 : i32
    %dma_wait3A_68 = tpu.memref_slice %arg2[%mul3A_66, %dma_wait3A_67] : memref<100000x128xf32, #tpu.memory_space<hbm>> -> memref<400x128xf32, #tpu.memory_space<hbm>>
    %dma_wait3A_69 = arith.constant 0 : i32
    %dma_wait3A_70 = tpu.memref_slice %arg2[%mul3A_66, %dma_wait3A_69] : memref<100000x128xf32, #tpu.memory_space<hbm>> -> memref<400x128xf32, #tpu.memory_space<hbm>>
    tpu.wait_dma2 semaphore(%arg6 : memref<!tpu.dma_semaphore, #tpu.memory_space<semaphore_mem>>) src(%dma_wait3A_70 : memref<400x128xf32, #tpu.memory_space<hbm>>) dst(%arg4 : memref<400x128xf32, #tpu.memory_space<vmem>>)
    %add3A_71 = arith.constant 64 : i32
    %add3A_72 = arith.addi %add3A, %add3A_71 : i32
    %mul3A_73 = arith.constant 400 : i32
    %mul3A_74 = arith.muli %add3A_72, %mul3A_73 : i32
    %dma_start3A_75 = arith.constant 0 : i32
    %dma_start3A_76 = tpu.memref_slice %arg3[%mul3A_74, %dma_start3A_75] : memref<100000x128xf32, #tpu.memory_space<hbm>> -> memref<400x128xf32, #tpu.memory_space<hbm>>
    %dma_start3A_77 = arith.constant 0 : i32
    %dma_start3A_78 = tpu.memref_slice %arg3[%mul3A_74, %dma_start3A_77] : memref<100000x128xf32, #tpu.memory_space<hbm>> -> memref<400x128xf32, #tpu.memory_space<hbm>>
    tpu.enqueue_dma source(%arg4 : memref<400x128xf32, #tpu.memory_space<vmem>>) target(%dma_start3A_78 : memref<400x128xf32, #tpu.memory_space<hbm>>) target_semaphore(%arg8 : memref<!tpu.dma_semaphore, #tpu.memory_space<semaphore_mem>>)
    %add3A_79 = arith.constant 32 : i32
    %add3A_80 = arith.addi %add3A, %add3A_79 : i32
    %mul3A_81 = arith.constant 400 : i32
    %mul3A_82 = arith.muli %add3A_80, %mul3A_81 : i32
    %dma_wait3A_83 = arith.constant 0 : i32
    %dma_wait3A_84 = tpu.memref_slice %arg3[%mul3A_82, %dma_wait3A_83] : memref<100000x128xf32, #tpu.memory_space<hbm>> -> memref<400x128xf32, #tpu.memory_space<hbm>>
    %dma_wait3A_85 = arith.constant 0 : i32
    %dma_wait3A_86 = tpu.memref_slice %arg3[%mul3A_82, %dma_wait3A_85] : memref<100000x128xf32, #tpu.memory_space<hbm>> -> memref<400x128xf32, #tpu.memory_space<hbm>>
    tpu.wait_dma2 semaphore(%arg9 : memref<!tpu.dma_semaphore, #tpu.memory_space<semaphore_mem>>) src(%arg5 : memref<400x128xf32, #tpu.memory_space<vmem>>) dst(%dma_wait3A_86 : memref<400x128xf32, #tpu.memory_space<hbm>>)
    %add3A_87 = arith.constant 96 : i32
    %add3A_88 = arith.addi %add3A, %add3A_87 : i32
    %mul3A_89 = arith.constant 400 : i32
    %mul3A_90 = arith.muli %add3A_88, %mul3A_89 : i32
    %dma_start3A_91 = arith.constant 0 : i32
    %dma_start3A_92 = tpu.memref_slice %arg2[%mul3A_90, %dma_start3A_91] : memref<100000x128xf32, #tpu.memory_space<hbm>> -> memref<400x128xf32, #tpu.memory_space<hbm>>
    %dma_start3A_93 = arith.constant 0 : i32
    %dma_start3A_94 = tpu.memref_slice %arg2[%mul3A_90, %dma_start3A_93] : memref<100000x128xf32, #tpu.memory_space<hbm>> -> memref<400x128xf32, #tpu.memory_space<hbm>>
    tpu.enqueue_dma source(%dma_start3A_94 : memref<400x128xf32, #tpu.memory_space<hbm>>) target(%arg5 : memref<400x128xf32, #tpu.memory_space<vmem>>) target_semaphore(%arg7 : memref<!tpu.dma_semaphore, #tpu.memory_space<semaphore_mem>>)
    %add3A_95 = arith.constant 96 : i32
    %add3A_96 = arith.addi %add3A, %add3A_95 : i32
    %mul3A_97 = arith.constant 400 : i32
    %mul3A_98 = arith.muli %add3A_96, %mul3A_97 : i32
    %dma_wait3A_99 = arith.constant 0 : i32
    %dma_wait3A_100 = tpu.memref_slice %arg2[%mul3A_98, %dma_wait3A_99] : memref<100000x128xf32, #tpu.memory_space<hbm>> -> memref<400x128xf32, #tpu.memory_space<hbm>>
    %dma_wait3A_101 = arith.constant 0 : i32
    %dma_wait3A_102 = tpu.memref_slice %arg2[%mul3A_98, %dma_wait3A_101] : memref<100000x128xf32, #tpu.memory_space<hbm>> -> memref<400x128xf32, #tpu.memory_space<hbm>>
    tpu.wait_dma2 semaphore(%arg7 : memref<!tpu.dma_semaphore, #tpu.memory_space<semaphore_mem>>) src(%dma_wait3A_102 : memref<400x128xf32, #tpu.memory_space<hbm>>) dst(%arg5 : memref<400x128xf32, #tpu.memory_space<vmem>>)
    %add3A_103 = arith.constant 96 : i32
    %add3A_104 = arith.addi %add3A, %add3A_103 : i32
    %mul3A_105 = arith.constant 400 : i32
    %mul3A_106 = arith.muli %add3A_104, %mul3A_105 : i32
    %dma_start3A_107 = arith.constant 0 : i32
    %dma_start3A_108 = tpu.memref_slice %arg3[%mul3A_106, %dma_start3A_107] : memref<100000x128xf32, #tpu.memory_space<hbm>> -> memref<400x128xf32, #tpu.memory_space<hbm>>
    %dma_start3A_109 = arith.constant 0 : i32
    %dma_start3A_110 = tpu.memref_slice %arg3[%mul3A_106, %dma_start3A_109] : memref<100000x128xf32, #tpu.memory_space<hbm>> -> memref<400x128xf32, #tpu.memory_space<hbm>>
    tpu.enqueue_dma source(%arg5 : memref<400x128xf32, #tpu.memory_space<vmem>>) target(%dma_start3A_110 : memref<400x128xf32, #tpu.memory_space<hbm>>) target_semaphore(%arg9 : memref<!tpu.dma_semaphore, #tpu.memory_space<semaphore_mem>>)
    %add3A_111 = arith.constant 64 : i32
    %add3A_112 = arith.addi %add3A, %add3A_111 : i32
    %mul3A_113 = arith.constant 400 : i32
    %mul3A_114 = arith.muli %add3A_112, %mul3A_113 : i32
    %dma_wait3A_115 = arith.constant 0 : i32
    %dma_wait3A_116 = tpu.memref_slice %arg3[%mul3A_114, %dma_wait3A_115] : memref<100000x128xf32, #tpu.memory_space<hbm>> -> memref<400x128xf32, #tpu.memory_space<hbm>>
    %dma_wait3A_117 = arith.constant 0 : i32
    %dma_wait3A_118 = tpu.memref_slice %arg3[%mul3A_114, %dma_wait3A_117] : memref<100000x128xf32, #tpu.memory_space<hbm>> -> memref<400x128xf32, #tpu.memory_space<hbm>>
    tpu.wait_dma2 semaphore(%arg8 : memref<!tpu.dma_semaphore, #tpu.memory_space<semaphore_mem>>) src(%arg4 : memref<400x128xf32, #tpu.memory_space<vmem>>) dst(%dma_wait3A_118 : memref<400x128xf32, #tpu.memory_space<hbm>>)
    %add3A_119 = arith.constant 128 : i32
    %add3A_120 = arith.addi %add3A, %add3A_119 : i32
    %mul3A_121 = arith.constant 400 : i32
    %mul3A_122 = arith.muli %add3A_120, %mul3A_121 : i32
    %dma_start3A_123 = arith.constant 0 : i32
    %dma_start3A_124 = tpu.memref_slice %arg2[%mul3A_122, %dma_start3A_123] : memref<100000x128xf32, #tpu.memory_space<hbm>> -> memref<400x128xf32, #tpu.memory_space<hbm>>
    %dma_start3A_125 = arith.constant 0 : i32
    %dma_start3A_126 = tpu.memref_slice %arg2[%mul3A_122, %dma_start3A_125] : memref<100000x128xf32, #tpu.memory_space<hbm>> -> memref<400x128xf32, #tpu.memory_space<hbm>>
    tpu.enqueue_dma source(%dma_start3A_126 : memref<400x128xf32, #tpu.memory_space<hbm>>) target(%arg4 : memref<400x128xf32, #tpu.memory_space<vmem>>) target_semaphore(%arg6 : memref<!tpu.dma_semaphore, #tpu.memory_space<semaphore_mem>>)
    %add3A_127 = arith.constant 128 : i32
    %add3A_128 = arith.addi %add3A, %add3A_127 : i32
    %mul3A_129 = arith.constant 400 : i32
    %mul3A_130 = arith.muli %add3A_128, %mul3A_129 : i32
    %dma_wait3A_131 = arith.constant 0 : i32
    %dma_wait3A_132 = tpu.memref_slice %arg2[%mul3A_130, %dma_wait3A_131] : memref<100000x128xf32, #tpu.memory_space<hbm>> -> memref<400x128xf32, #tpu.memory_space<hbm>>
    %dma_wait3A_133 = arith.constant 0 : i32
    %dma_wait3A_134 = tpu.memref_slice %arg2[%mul3A_130, %dma_wait3A_133] : memref<100000x128xf32, #tpu.memory_space<hbm>> -> memref<400x128xf32, #tpu.memory_space<hbm>>
    tpu.wait_dma2 semaphore(%arg6 : memref<!tpu.dma_semaphore, #tpu.memory_space<semaphore_mem>>) src(%dma_wait3A_134 : memref<400x128xf32, #tpu.memory_space<hbm>>) dst(%arg4 : memref<400x128xf32, #tpu.memory_space<vmem>>)
    %add3A_135 = arith.constant 128 : i32
    %add3A_136 = arith.addi %add3A, %add3A_135 : i32
    %mul3A_137 = arith.constant 400 : i32
    %mul3A_138 = arith.muli %add3A_136, %mul3A_137 : i32
    %dma_start3A_139 = arith.constant 0 : i32
    %dma_start3A_140 = tpu.memref_slice %arg3[%mul3A_138, %dma_start3A_139] : memref<100000x128xf32, #tpu.memory_space<hbm>> -> memref<400x128xf32, #tpu.memory_space<hbm>>
    %dma_start3A_141 = arith.constant 0 : i32
    %dma_start3A_142 = tpu.memref_slice %arg3[%mul3A_138, %dma_start3A_141] : memref<100000x128xf32, #tpu.memory_space<hbm>> -> memref<400x128xf32, #tpu.memory_space<hbm>>
    tpu.enqueue_dma source(%arg4 : memref<400x128xf32, #tpu.memory_space<vmem>>) target(%dma_start3A_142 : memref<400x128xf32, #tpu.memory_space<hbm>>) target_semaphore(%arg8 : memref<!tpu.dma_semaphore, #tpu.memory_space<semaphore_mem>>)
    %add3A_143 = arith.constant 96 : i32
    %add3A_144 = arith.addi %add3A, %add3A_143 : i32
    %mul3A_145 = arith.constant 400 : i32
    %mul3A_146 = arith.muli %add3A_144, %mul3A_145 : i32
    %dma_wait3A_147 = arith.constant 0 : i32
    %dma_wait3A_148 = tpu.memref_slice %arg3[%mul3A_146, %dma_wait3A_147] : memref<100000x128xf32, #tpu.memory_space<hbm>> -> memref<400x128xf32, #tpu.memory_space<hbm>>
    %dma_wait3A_149 = arith.constant 0 : i32
    %dma_wait3A_150 = tpu.memref_slice %arg3[%mul3A_146, %dma_wait3A_149] : memref<100000x128xf32, #tpu.memory_space<hbm>> -> memref<400x128xf32, #tpu.memory_space<hbm>>
    tpu.wait_dma2 semaphore(%arg9 : memref<!tpu.dma_semaphore, #tpu.memory_space<semaphore_mem>>) src(%arg5 : memref<400x128xf32, #tpu.memory_space<vmem>>) dst(%dma_wait3A_150 : memref<400x128xf32, #tpu.memory_space<hbm>>)
    %add3A_151 = arith.constant 160 : i32
    %add3A_152 = arith.addi %add3A, %add3A_151 : i32
    %mul3A_153 = arith.constant 400 : i32
    %mul3A_154 = arith.muli %add3A_152, %mul3A_153 : i32
    %dma_start3A_155 = arith.constant 0 : i32
    %dma_start3A_156 = tpu.memref_slice %arg2[%mul3A_154, %dma_start3A_155] : memref<100000x128xf32, #tpu.memory_space<hbm>> -> memref<400x128xf32, #tpu.memory_space<hbm>>
    %dma_start3A_157 = arith.constant 0 : i32
    %dma_start3A_158 = tpu.memref_slice %arg2[%mul3A_154, %dma_start3A_157] : memref<100000x128xf32, #tpu.memory_space<hbm>> -> memref<400x128xf32, #tpu.memory_space<hbm>>
    tpu.enqueue_dma source(%dma_start3A_158 : memref<400x128xf32, #tpu.memory_space<hbm>>) target(%arg5 : memref<400x128xf32, #tpu.memory_space<vmem>>) target_semaphore(%arg7 : memref<!tpu.dma_semaphore, #tpu.memory_space<semaphore_mem>>)
    %add3A_159 = arith.constant 160 : i32
    %add3A_160 = arith.addi %add3A, %add3A_159 : i32
    %mul3A_161 = arith.constant 400 : i32
    %mul3A_162 = arith.muli %add3A_160, %mul3A_161 : i32
    %dma_wait3A_163 = arith.constant 0 : i32
    %dma_wait3A_164 = tpu.memref_slice %arg2[%mul3A_162, %dma_wait3A_163] : memref<100000x128xf32, #tpu.memory_space<hbm>> -> memref<400x128xf32, #tpu.memory_space<hbm>>
    %dma_wait3A_165 = arith.constant 0 : i32
    %dma_wait3A_166 = tpu.memref_slice %arg2[%mul3A_162, %dma_wait3A_165] : memref<100000x128xf32, #tpu.memory_space<hbm>> -> memref<400x128xf32, #tpu.memory_space<hbm>>
    tpu.wait_dma2 semaphore(%arg7 : memref<!tpu.dma_semaphore, #tpu.memory_space<semaphore_mem>>) src(%dma_wait3A_166 : memref<400x128xf32, #tpu.memory_space<hbm>>) dst(%arg5 : memref<400x128xf32, #tpu.memory_space<vmem>>)
    %add3A_167 = arith.constant 160 : i32
    %add3A_168 = arith.addi %add3A, %add3A_167 : i32
    %mul3A_169 = arith.constant 400 : i32
    %mul3A_170 = arith.muli %add3A_168, %mul3A_169 : i32
    %dma_start3A_171 = arith.constant 0 : i32
    %dma_start3A_172 = tpu.memref_slice %arg3[%mul3A_170, %dma_start3A_171] : memref<100000x128xf32, #tpu.memory_space<hbm>> -> memref<400x128xf32, #tpu.memory_space<hbm>>
    %dma_start3A_173 = arith.constant 0 : i32
    %dma_start3A_174 = tpu.memref_slice %arg3[%mul3A_170, %dma_start3A_173] : memref<100000x128xf32, #tpu.memory_space<hbm>> -> memref<400x128xf32, #tpu.memory_space<hbm>>
    tpu.enqueue_dma source(%arg5 : memref<400x128xf32, #tpu.memory_space<vmem>>) target(%dma_start3A_174 : memref<400x128xf32, #tpu.memory_space<hbm>>) target_semaphore(%arg9 : memref<!tpu.dma_semaphore, #tpu.memory_space<semaphore_mem>>)
    %add3A_175 = arith.constant 128 : i32
    %add3A_176 = arith.addi %add3A, %add3A_175 : i32
    %mul3A_177 = arith.constant 400 : i32
    %mul3A_178 = arith.muli %add3A_176, %mul3A_177 : i32
    %dma_wait3A_179 = arith.constant 0 : i32
    %dma_wait3A_180 = tpu.memref_slice %arg3[%mul3A_178, %dma_wait3A_179] : memref<100000x128xf32, #tpu.memory_space<hbm>> -> memref<400x128xf32, #tpu.memory_space<hbm>>
    %dma_wait3A_181 = arith.constant 0 : i32
    %dma_wait3A_182 = tpu.memref_slice %arg3[%mul3A_178, %dma_wait3A_181] : memref<100000x128xf32, #tpu.memory_space<hbm>> -> memref<400x128xf32, #tpu.memory_space<hbm>>
    tpu.wait_dma2 semaphore(%arg8 : memref<!tpu.dma_semaphore, #tpu.memory_space<semaphore_mem>>) src(%arg4 : memref<400x128xf32, #tpu.memory_space<vmem>>) dst(%dma_wait3A_182 : memref<400x128xf32, #tpu.memory_space<hbm>>)
    %add3A_183 = arith.constant 192 : i32
    %add3A_184 = arith.addi %add3A, %add3A_183 : i32
    %mul3A_185 = arith.constant 400 : i32
    %mul3A_186 = arith.muli %add3A_184, %mul3A_185 : i32
    %dma_start3A_187 = arith.constant 0 : i32
    %dma_start3A_188 = tpu.memref_slice %arg2[%mul3A_186, %dma_start3A_187] : memref<100000x128xf32, #tpu.memory_space<hbm>> -> memref<400x128xf32, #tpu.memory_space<hbm>>
    %dma_start3A_189 = arith.constant 0 : i32
    %dma_start3A_190 = tpu.memref_slice %arg2[%mul3A_186, %dma_start3A_189] : memref<100000x128xf32, #tpu.memory_space<hbm>> -> memref<400x128xf32, #tpu.memory_space<hbm>>
    tpu.enqueue_dma source(%dma_start3A_190 : memref<400x128xf32, #tpu.memory_space<hbm>>) target(%arg4 : memref<400x128xf32, #tpu.memory_space<vmem>>) target_semaphore(%arg6 : memref<!tpu.dma_semaphore, #tpu.memory_space<semaphore_mem>>)
    %add3A_191 = arith.constant 192 : i32
    %add3A_192 = arith.addi %add3A, %add3A_191 : i32
    %mul3A_193 = arith.constant 400 : i32
    %mul3A_194 = arith.muli %add3A_192, %mul3A_193 : i32
    %dma_wait3A_195 = arith.constant 0 : i32
    %dma_wait3A_196 = tpu.memref_slice %arg2[%mul3A_194, %dma_wait3A_195] : memref<100000x128xf32, #tpu.memory_space<hbm>> -> memref<400x128xf32, #tpu.memory_space<hbm>>
    %dma_wait3A_197 = arith.constant 0 : i32
    %dma_wait3A_198 = tpu.memref_slice %arg2[%mul3A_194, %dma_wait3A_197] : memref<100000x128xf32, #tpu.memory_space<hbm>> -> memref<400x128xf32, #tpu.memory_space<hbm>>
    tpu.wait_dma2 semaphore(%arg6 : memref<!tpu.dma_semaphore, #tpu.memory_space<semaphore_mem>>) src(%dma_wait3A_198 : memref<400x128xf32, #tpu.memory_space<hbm>>) dst(%arg4 : memref<400x128xf32, #tpu.memory_space<vmem>>)
    %add3A_199 = arith.constant 192 : i32
    %add3A_200 = arith.addi %add3A, %add3A_199 : i32
    %mul3A_201 = arith.constant 400 : i32
    %mul3A_202 = arith.muli %add3A_200, %mul3A_201 : i32
    %dma_start3A_203 = arith.constant 0 : i32
    %dma_start3A_204 = tpu.memref_slice %arg3[%mul3A_202, %dma_start3A_203] : memref<100000x128xf32, #tpu.memory_space<hbm>> -> memref<400x128xf32, #tpu.memory_space<hbm>>
    %dma_start3A_205 = arith.constant 0 : i32
    %dma_start3A_206 = tpu.memref_slice %arg3[%mul3A_202, %dma_start3A_205] : memref<100000x128xf32, #tpu.memory_space<hbm>> -> memref<400x128xf32, #tpu.memory_space<hbm>>
    tpu.enqueue_dma source(%arg4 : memref<400x128xf32, #tpu.memory_space<vmem>>) target(%dma_start3A_206 : memref<400x128xf32, #tpu.memory_space<hbm>>) target_semaphore(%arg8 : memref<!tpu.dma_semaphore, #tpu.memory_space<semaphore_mem>>)
    %add3A_207 = arith.constant 160 : i32
    %add3A_208 = arith.addi %add3A, %add3A_207 : i32
    %mul3A_209 = arith.constant 400 : i32
    %mul3A_210 = arith.muli %add3A_208, %mul3A_209 : i32
    %dma_wait3A_211 = arith.constant 0 : i32
    %dma_wait3A_212 = tpu.memref_slice %arg3[%mul3A_210, %dma_wait3A_211] : memref<100000x128xf32, #tpu.memory_space<hbm>> -> memref<400x128xf32, #tpu.memory_space<hbm>>
    %dma_wait3A_213 = arith.constant 0 : i32
    %dma_wait3A_214 = tpu.memref_slice %arg3[%mul3A_210, %dma_wait3A_213] : memref<100000x128xf32, #tpu.memory_space<hbm>> -> memref<400x128xf32, #tpu.memory_space<hbm>>
    tpu.wait_dma2 semaphore(%arg9 : memref<!tpu.dma_semaphore, #tpu.memory_space<semaphore_mem>>) src(%arg5 : memref<400x128xf32, #tpu.memory_space<vmem>>) dst(%dma_wait3A_214 : memref<400x128xf32, #tpu.memory_space<hbm>>)
    %lt3A = arith.constant 26 : i32
    %lt3A_215 = arith.cmpi slt, %add3A, %lt3A : i32
    %convert_element_type3A = arith.extui %lt3A_215 : i1 to i32
    %cond3A = arith.constant 0 : i32
    %cond3A_216 = arith.cmpi ne, %convert_element_type3A, %cond3A : i32
    scf.if %cond3A_216 {
      %add3A_226 = arith.constant 224 : i32
      %add3A_227 = arith.addi %add3A, %add3A_226 : i32
      %mul3A_228 = arith.constant 400 : i32
      %mul3A_229 = arith.muli %add3A_227, %mul3A_228 : i32
      %dma_start3A_230 = arith.constant 0 : i32
      %dma_start3A_231 = tpu.memref_slice %arg2[%mul3A_229, %dma_start3A_230] : memref<100000x128xf32, #tpu.memory_space<hbm>> -> memref<400x128xf32, #tpu.memory_space<hbm>>
      %dma_start3A_232 = arith.constant 0 : i32
      %dma_start3A_233 = tpu.memref_slice %arg2[%mul3A_229, %dma_start3A_232] : memref<100000x128xf32, #tpu.memory_space<hbm>> -> memref<400x128xf32, #tpu.memory_space<hbm>>
      tpu.enqueue_dma source(%dma_start3A_233 : memref<400x128xf32, #tpu.memory_space<hbm>>) target(%arg5 : memref<400x128xf32, #tpu.memory_space<vmem>>) target_semaphore(%arg7 : memref<!tpu.dma_semaphore, #tpu.memory_space<semaphore_mem>>)
    } else {
    }
    %lt3A_217 = arith.constant 26 : i32
    %lt3A_218 = arith.cmpi slt, %add3A, %lt3A_217 : i32
    %convert_element_type3A_219 = arith.extui %lt3A_218 : i1 to i32
    %cond3A_220 = arith.constant 0 : i32
    %cond3A_221 = arith.cmpi ne, %convert_element_type3A_219, %cond3A_220 : i32
    scf.if %cond3A_221 {
      %add3A_226 = arith.constant 224 : i32
      %add3A_227 = arith.addi %add3A, %add3A_226 : i32
      %mul3A_228 = arith.constant 400 : i32
      %mul3A_229 = arith.muli %add3A_227, %mul3A_228 : i32
      %dma_wait3A_230 = arith.constant 0 : i32
      %dma_wait3A_231 = tpu.memref_slice %arg2[%mul3A_229, %dma_wait3A_230] : memref<100000x128xf32, #tpu.memory_space<hbm>> -> memref<400x128xf32, #tpu.memory_space<hbm>>
      %dma_wait3A_232 = arith.constant 0 : i32
      %dma_wait3A_233 = tpu.memref_slice %arg2[%mul3A_229, %dma_wait3A_232] : memref<100000x128xf32, #tpu.memory_space<hbm>> -> memref<400x128xf32, #tpu.memory_space<hbm>>
      tpu.wait_dma2 semaphore(%arg7 : memref<!tpu.dma_semaphore, #tpu.memory_space<semaphore_mem>>) src(%dma_wait3A_233 : memref<400x128xf32, #tpu.memory_space<hbm>>) dst(%arg5 : memref<400x128xf32, #tpu.memory_space<vmem>>)
      %add3A_234 = arith.constant 224 : i32
      %add3A_235 = arith.addi %add3A, %add3A_234 : i32
      %mul3A_236 = arith.constant 400 : i32
      %mul3A_237 = arith.muli %add3A_235, %mul3A_236 : i32
      %dma_start3A_238 = arith.constant 0 : i32
      %dma_start3A_239 = tpu.memref_slice %arg3[%mul3A_237, %dma_start3A_238] : memref<100000x128xf32, #tpu.memory_space<hbm>> -> memref<400x128xf32, #tpu.memory_space<hbm>>
      %dma_start3A_240 = arith.constant 0 : i32
      %dma_start3A_241 = tpu.memref_slice %arg3[%mul3A_237, %dma_start3A_240] : memref<100000x128xf32, #tpu.memory_space<hbm>> -> memref<400x128xf32, #tpu.memory_space<hbm>>
      tpu.enqueue_dma source(%arg5 : memref<400x128xf32, #tpu.memory_space<vmem>>) target(%dma_start3A_241 : memref<400x128xf32, #tpu.memory_space<hbm>>) target_semaphore(%arg9 : memref<!tpu.dma_semaphore, #tpu.memory_space<semaphore_mem>>)
      %add3A_242 = arith.constant 192 : i32
      %add3A_243 = arith.addi %add3A, %add3A_242 : i32
      %mul3A_244 = arith.constant 400 : i32
      %mul3A_245 = arith.muli %add3A_243, %mul3A_244 : i32
      %dma_wait3A_246 = arith.constant 0 : i32
      %dma_wait3A_247 = tpu.memref_slice %arg3[%mul3A_245, %dma_wait3A_246] : memref<100000x128xf32, #tpu.memory_space<hbm>> -> memref<400x128xf32, #tpu.memory_space<hbm>>
      %dma_wait3A_248 = arith.constant 0 : i32
      %dma_wait3A_249 = tpu.memref_slice %arg3[%mul3A_245, %dma_wait3A_248] : memref<100000x128xf32, #tpu.memory_space<hbm>> -> memref<400x128xf32, #tpu.memory_space<hbm>>
      tpu.wait_dma2 semaphore(%arg8 : memref<!tpu.dma_semaphore, #tpu.memory_space<semaphore_mem>>) src(%arg4 : memref<400x128xf32, #tpu.memory_space<vmem>>) dst(%dma_wait3A_249 : memref<400x128xf32, #tpu.memory_space<hbm>>)
      %add3A_250 = arith.constant 224 : i32
      %add3A_251 = arith.addi %add3A, %add3A_250 : i32
      %mul3A_252 = arith.constant 400 : i32
      %mul3A_253 = arith.muli %add3A_251, %mul3A_252 : i32
      %dma_wait3A_254 = arith.constant 0 : i32
      %dma_wait3A_255 = tpu.memref_slice %arg3[%mul3A_253, %dma_wait3A_254] : memref<100000x128xf32, #tpu.memory_space<hbm>> -> memref<400x128xf32, #tpu.memory_space<hbm>>
      %dma_wait3A_256 = arith.constant 0 : i32
      %dma_wait3A_257 = tpu.memref_slice %arg3[%mul3A_253, %dma_wait3A_256] : memref<100000x128xf32, #tpu.memory_space<hbm>> -> memref<400x128xf32, #tpu.memory_space<hbm>>
      tpu.wait_dma2 semaphore(%arg9 : memref<!tpu.dma_semaphore, #tpu.memory_space<semaphore_mem>>) src(%arg5 : memref<400x128xf32, #tpu.memory_space<vmem>>) dst(%dma_wait3A_257 : memref<400x128xf32, #tpu.memory_space<hbm>>)
    } else {
    }
    %ge3A = arith.constant 26 : i32
    %ge3A_222 = arith.cmpi sge, %add3A, %ge3A : i32
    %convert_element_type3A_223 = arith.extui %ge3A_222 : i1 to i32
    %cond3A_224 = arith.constant 0 : i32
    %cond3A_225 = arith.cmpi ne, %convert_element_type3A_223, %cond3A_224 : i32
    scf.if %cond3A_225 {
      %add3A_226 = arith.constant 192 : i32
      %add3A_227 = arith.addi %add3A, %add3A_226 : i32
      %mul3A_228 = arith.constant 400 : i32
      %mul3A_229 = arith.muli %add3A_227, %mul3A_228 : i32
      %dma_wait3A_230 = arith.constant 0 : i32
      %dma_wait3A_231 = tpu.memref_slice %arg3[%mul3A_229, %dma_wait3A_230] : memref<100000x128xf32, #tpu.memory_space<hbm>> -> memref<400x128xf32, #tpu.memory_space<hbm>>
      %dma_wait3A_232 = arith.constant 0 : i32
      %dma_wait3A_233 = tpu.memref_slice %arg3[%mul3A_229, %dma_wait3A_232] : memref<100000x128xf32, #tpu.memory_space<hbm>> -> memref<400x128xf32, #tpu.memory_space<hbm>>
      tpu.wait_dma2 semaphore(%arg8 : memref<!tpu.dma_semaphore, #tpu.memory_space<semaphore_mem>>) src(%arg4 : memref<400x128xf32, #tpu.memory_space<vmem>>) dst(%dma_wait3A_233 : memref<400x128xf32, #tpu.memory_space<hbm>>)
    } else {
    }
    return
  }
}

</mosaic_0001>

<sc_bundles>
// kernel: kernel.3.cloned.1.call-start
scs
__scs_entry_jumppad:
0x0: {  	(pc) =	sbr.rel $0x88, $3  }
0x1: {  	(tag) =	ssettag $0x0;
	lr =	simm.s32 $0x1  }
0x2: {  	[smem:$0x3FA0] =	sst lr;
	_ =	strace $0xD0000000  }
0x3: {  	_ = 	snop  }
0x4: {  	_ = 	snop  }
0x5: {  	_ = 	snop  }
0x6: {  	_ = 	snop  }
0x7: {  	_ = 	snop  }
__scs_overlays_trampoline_lowered:
0x8: {  	[smem:$0x3FAF] =	sst s0  }
0x9: {  	[smem:$0x3FB0] =	sst s1  }
0xa: {  	[smem:$0x3FB1] =	sst s2  }
0xb: {  	[smem:$0x3FB2] =	sst s3  }
0xc: {  	[smem:$0x3FB3] =	sst s4  }
0xd: {  	[smem:$0x3FB4] =	sst s5  }
0xe: {  	[smem:$0x3FB5] =	sst s6  }
0xf: {  	[smem:$0x3FB6] =	sst s7  }
0x10: {  	[smem:$0x3FB7] =	sst s8  }
0x11: {  	[smem:$0x3FB8] =	sst s9;
	s0 =	simm.s32 @!p0 $0x0  }
0x12: {  	s1 =	sld [smem:$0x3F9E];
	s0 =	simm.s32 @p0 $0x1  }
0x13: {  	[smem:$0x3FB9] =	sst s0;
	s0 =	simm.s32 @!p1 $0x0  }
0x14: {  	s2 =	sld [smem:$0x3F9D];
	s0 =	simm.s32 @p1 $0x1  }
0x15: {  	[smem:$0x3FBA] =	sst s0;
	s0 =	simm.s32 @!p2 $0x0  }
0x16: {  	s3 =	sld [smem:$0x3FDB];
	s0 =	simm.s32 @p2 $0x1  }
0x17: {  	s4 =	simm.s32 $0x1BF5;
	[smem:$0x3FBC] =	sst s0  }
0x18: {  	s0 =	sld [smem:$0x3F9F];
	_ =	swait.ge [sflag:s4], $0x0  }
0x19: {  	s7 =	sld [smem:$0x3FA0]  }
0x1a: {  	s8 =	sadd.s32 $0xFFFFE003, lr  }
0x1b: {  	s9 =	sadd.s32 $0xFFFFFEF7, lr;
	s5 =	simm.s32 $0xFFFFFFFF;
	p2 =	slt.u32 s8, $0xFFFFF086  }
0x1c: {  	p1 =	slt.u32 s9, $0xF7A;
	s5 =	simm.s32 @!p2 $0x0  }
0x1d: {  	s5 =	simm.s32 @p1 $0x1;
	p0 =	seq.s32 s7, s2  }
0x1e: {  	s7 =	smul.u32 @!p0 $0xF7A, s2;
	p2 =	seq.s32 @!p0 s5, $0x0  }
0x1f: {  	s9 =	smul.u32 $0xF7A, s1;
	s8 =	simm.s32 @!p0 $0x1BF5;
	p2 =	por !p2, p0  }
0x20: {  	[sflag:s8] =	ssyncset.s32 @!p0 $0xFFFFF086;
	s6 =	sadd.s32 @!p0 s3, s7;
	s7 =	simm.s32 @!p0 $0x108  }
0x21: {  	s3 =	sadd.s32 s3, s9;
	s6 =	sadd.s32 @!p0 $0x88, s6;
	s7 =	simm.s32 @p2 $0x1082  }
0x22: {  	[simem:s7], [sflag:s8] =	dma.local @!p0 [hbm:s6], $0xF7A  }
0x23: {  	s9 =	sor.u32 $0xD0000000, s2;
	s6 =	simm.s32 $0x108;
	_ =	swait.ge @!p0 [sflag:s8], $0x0  }
0x24: {  	s3 =	sadd.s32 $0x88, s3;
	s6 =	simm.s32 @!p1 $0x1082;
	[sflag:s4] =	ssyncset.s32 $0xFFFFF086  }
0x25: {  	[simem:s6], [sflag:s4] =	dma.local [hbm:s3], $0xF7A  }
0x26: {  	[smem:$0x3FA0] =	sst s1;
	(tag) =	ssettag s2;
	_ =	strace s9  }
0x27: {  	s1 =	sld [smem:$0x3FB0]  }
0x28: {  	s2 =	sld [smem:$0x3FB1]  }
0x29: {  	s4 =	sld [smem:$0x3FB3]  }
0x2a: {  	p0 =	seq.s32 s5, $0x0;
	s5 =	sld [smem:$0x3FB4]  }
0x2b: {  	s6 =	sld [smem:$0x3FB5]  }
0x2c: {  	s7 =	sld [smem:$0x3FB6]  }
0x2d: {  	s3 =	simm.s32 $0x108;
	s8 =	sld [smem:$0x3FB7]  }
0x2e: {  	s3 =	simm.s32 @!p0 $0x1082;
	s9 =	sld [smem:$0x3FB8]  }
0x2f: {  	lr =	sadd.s32 s0, s3;
	s0 =	sld [smem:$0x3FAF]  }
0x30: {  	s3 =	sld [smem:$0x3FB2]  }
0x31: {  	[smem:$0x3FBB] =	sst s10  }
0x32: {  	s10 =	sld [smem:$0x3FB9];
	_ =	sdelay $0x3  }
0x33: {  	p0 =	seq.s32 s10, $0x1;
	s10 =	sld [smem:$0x3FBB];
	_ =	sdelay $0x3  }
0x34: {  	[smem:$0x3FBB] =	sst s10  }
0x35: {  	s10 =	sld [smem:$0x3FBA];
	_ =	sdelay $0x3  }
0x36: {  	p1 =	seq.s32 s10, $0x1;
	s10 =	sld [smem:$0x3FBB];
	_ =	sdelay $0x3  }
0x37: {  	[smem:$0x3FBB] =	sst s10  }
0x38: {  	s10 =	sld [smem:$0x3FBC]  }
0x39: {  	_ = 	snop;
	(pc) =	sbr.ind lr, $3  }
0x3a: {  	_ = 	snop  }
0x3b: {  	_ = 	snop  }
0x3c: {  	p2 =	seq.s32 s10, $0x1;
	s10 =	sld [smem:$0x3FBB]  }
0x3d: {  	_ =	shalt  }
0x3e: {  	_ =	shalt  }
0x3f: {  	_ =	shalt  }
0x40: {  	_ =	shalt  }
0x41: {  	_ =	shalt  }
0x42: {  	_ =	shalt  }
0x43: {  	_ =	shalt  }
0x44: {  	_ =	shalt  }
0x45: {  	_ =	shalt  }
0x46: {  	_ =	shalt  }
0x47: {  	_ =	shalt  }
0x48: {  	_ =	shalt  }
0x49: {  	_ =	shalt  }
0x4a: {  	_ =	shalt  }
0x4b: {  	_ =	shalt  }
0x4c: {  	_ =	shalt  }
0x4d: {  	_ =	shalt  }
0x4e: {  	_ =	shalt  }
0x4f: {  	_ =	shalt  }
0x50: {  	_ =	shalt  }
0x51: {  	_ =	shalt  }
0x52: {  	_ =	shalt  }
0x53: {  	_ =	shalt  }
0x54: {  	_ =	shalt  }
0x55: {  	_ =	shalt  }
0x56: {  	_ =	shalt  }
0x57: {  	_ =	shalt  }
0x58: {  	_ =	shalt  }
0x59: {  	_ =	shalt  }
0x5a: {  	_ =	shalt  }
0x5b: {  	_ =	shalt  }
0x5c: {  	_ =	shalt  }
0x5d: {  	_ =	shalt  }
0x5e: {  	_ =	shalt  }
0x5f: {  	_ =	shalt  }
0x60: {  	_ =	shalt  }
0x61: {  	_ =	shalt  }
0x62: {  	_ =	shalt  }
0x63: {  	_ =	shalt  }
0x64: {  	_ =	shalt  }
0x65: {  	_ =	shalt  }
0x66: {  	_ =	shalt  }
0x67: {  	_ =	shalt  }
0x68: {  	_ =	shalt  }
0x69: {  	_ =	shalt  }
0x6a: {  	_ =	shalt  }
0x6b: {  	_ =	shalt  }
0x6c: {  	_ =	shalt  }
0x6d: {  	_ =	shalt  }
0x6e: {  	_ =	shalt  }
0x6f: {  	_ =	shalt  }
0x70: {  	_ =	shalt  }
0x71: {  	_ =	shalt  }
0x72: {  	_ =	shalt  }
0x73: {  	_ =	shalt  }
0x74: {  	_ =	shalt  }
0x75: {  	_ =	shalt  }
0x76: {  	_ =	shalt  }
0x77: {  	_ =	shalt  }
0x78: {  	_ =	shalt  }
0x79: {  	_ =	shalt  }
0x7a: {  	_ =	shalt  }
0x7b: {  	_ =	shalt  }
0x7c: {  	_ =	shalt  }
0x7d: {  	_ =	shalt  }
0x7e: {  	_ =	shalt  }
0x7f: {  	_ =	shalt  }
0x80: {  	_ =	shalt  }
0x81: {  	_ =	shalt  }
0x82: {  	_ =	shalt  }
0x83: {  	_ =	shalt  }
0x84: {  	_ =	shalt  }
0x85: {  	_ =	shalt  }
0x86: {  	_ =	shalt  }
0x87: {  	_ =	shalt  }
.Lfunc_end0:
.L_simem_size_0:
called_computation_lowered:
.L_overlay_start_0:
0x88: {  	s2 =	sld [smem:$0x3FD9]  }
0x89: {  	s3 =	sld [smem:$0x3FFE];
	_ =	sdelay $0x1  }
0x8a: {  	s1 =	srdreg.scid  }
0x8b: {  	s0 =	sand.u32 $0x1, s1  }
0x8c: {  	s18 =	sshll.u32 s0, $0xA;
	s2 =	sadd.s32 s3, s2  }
0x8d: {  	s2 =	sadd.s32 s2, s18  }
0x8e: {  	[smem:$0x3FC7] =	sst s2  }
0x8f: {  	_ = 	snop  }
0x90: {  	s2 =	sld [smem:$0x3FC9]  }
0x91: {  	s19 =	sld [smem:$0x3FD0];
	(tm) =	ssettm $0x1  }
0x92: {  	s4 =	sld [smem:$0x3FFB];
	_ =	sdelay $0x3  }
0x93: {  	_ =	strace s4  }
0x94: {  	s4 =	sld [smem:$0x3FFC];
	_ =	sdelay $0x3  }
0x95: {  	_ =	strace s4  }
0x96: {  	s4 =	sld [smem:$0x3FFD];
	_ =	sdelay $0x3  }
0x97: {  	_ =	strace s4  }
0x98: {  	_ =	strace $0x8FFFFFFF  }
0x99: {  	s20 =	sld [smem:$0x3FDB];
	_ =	sdelay $0x1  }
0x9a: {  	s5 =	simm.s32 $_scs_section_size  }
0x9b: {  	s6 =	simm.s32 $_size__tile_overlayer_lowered;
	s7 =	simm.s32 $_tile_overlayer_lowered  }
0x9c: {  	s23 =	simm.s32 $0x1BFF;
	s22 =	sshll.u32 s7, $0x1;
	s4 =	sadd.s32 s5, s20  }
0x9d: {  	s8 =	simm.s32 $0x0;
	s21 =	sshll.u32 s6, $0x1;
	s6 =	sadd.s32 s22, s4  }
0x9e: {  	[timem:s8], [sflag:s23] =	dma.local [hbm:s6], s21  }
0x9f: {  	_ =	swait.ge [sflag:s23], s21  }
0xa0: {  	s5 =	ssub.s32 $0x0, s21;
	[sflag:s23] =	ssyncset.done $0x0  }
0xa1: {  	[sflag:s23] =	ssyncadd.s32 s5;
	_ =	sdelay $0x1  }
0xa2: {  	s24 =	simm.s32 $0x1B8B  }
0xa3: {  	_ =	swait.ge [sflag:s24], $0x1  }
0xa4: {  	[sflag:s24] =	ssyncset.done $0x0  }
0xa5: {  	s25 =	simm.s32 $0x1B8E;
	[sflag:s24] =	ssyncadd.s32 $0xFFFFFFFF  }
0xa6: {  	s26 =	simm.s32 $execute0_lowered;
	[smem:$0x3FD2] =	sst s25  }
0xa7: {  	s5 =	sshll.u32 s26, $0x1;
	_ =	strace $0x80000046;
	[dreg:$0x1] =	wrdreg $0xFFFFFFFF  }
0xa8: {  	s28 =	simm.s32 $_size_execute0_lowered;
	s4 =	sadd.s32 s4, s5;
	[dreg:$0x0] =	wrdreg $0x0  }
0xa9: {  	s5 =	sshll.u32 s28, $0x1;
	[dreg:$0x2] =	wrdreg s4  }
0xaa: {  	[dreg:$0x3] =	wrdreg s5  }
0xab: {  	[dreg:$0x4] =	wrdreg $0xC0  }
0xac: {  	_ =	task [dreg:s8], $0x5FFFF  }
0xad: {  	[dreg:$0x1] =	wrdreg $0xFFFFFFFF  }
0xae: {  	[dreg:$0x0] =	wrdreg $0x60  }
0xaf: {  	[dreg:$0x2] =	wrdreg s2  }
0xb0: {  	[dreg:$0x3] =	wrdreg s19  }
0xb1: {  	[dreg:$0x4] =	wrdreg $0x9  }
0xb2: {  	_ =	task.clear_ibuf [dreg:s8], $0x5FFFF;
	_ =	strace $0x90000046  }
0xb3: {  	s29 =	simm.s32 $0x9;
	_ =	strace $0x80000048  }
0xb4: {  	_ =	swait.ge [sflag:s29], $0x1  }
0xb5: {  	[sflag:s29] =	ssyncadd.s32 $0xFFFFFFFF  }
0xb6: {  	_ =	strace $0x90000048  }
0xb7: {  	_ =	sfence  }
0xb8: {  	s30 =	sld [smem:$0x0];
	_ =	sdelay $0x2  }
0xb9: {  	s31 =	sshll.u32 s1, $0xD;
	s1 =	sshrl.u32 s1, $0x2  }
0xba: {  	s3 =	sand.u32 $0x4000, s31;
	s1 =	sadd.s32 s1, s30  }
0xbb: {  	s0 =	sor.u32 s3, s0;
	s1 =	sshll.u32 s1, $0x11  }
0xbc: {  	s0 =	sor.u32 s1, s0  }
0xbd: {  	s0 =	sadd.s32 $0x8F2B, s0  }
0xbe: {  	[sflag:s0] =	ssyncadd.remote.s32 $0x1  }
0xbf: {  	_ =	sfence.sel $0xFFFF  }
0xc0: {  	[dreg:$0x0] =	wrdreg $0xFFFFFFFF;
	(pc) =	sbr.abs _section_cstart, $3  }
0xc1: {  	[dreg:$0x1] =	wrdreg $0xFFFFFFFF  }
0xc2: {  	_ =	task.clear_ibuf [dreg:s8], $0x2FFFF;
	_ =	strace $0x9FFFFFFF  }
0xc3: {  	(tm) =	ssettm $0x7FFFFFFF  }
tec
execute0_lowered:
.L_overlay_start_1:
0x0: {  	(tag) =	ssettag $0x1  }
0x1: {  	s1 =	srdreg.scid;
	s0 =	stileid.u32  }
0x2: {  	s22 =	rddreg [dreg:$0x0];
	s28 =	sand.u32 $0x1, s1;
	s3 =	sshll.u32 s0, $0x1  }
0x3: {  	s26 =	rddreg [dreg:$0x1];
	s2 =	simm.s32 $0x0;
	s4 =	sor.u32 s28, s3  }
0x4: {  	[smem:$0x7FF] =	sst s2;
	s5 =	smul.u32 $0x1900, s4  }
0x5: {  	s1 =	rddreg [dreg:$0x2];
	_ =	strace $0x80000047  }
0x6: {  	s6 =	smul.u32 $0xC800, s4;
	s4 =	simm.s32 $0x1;
	s3 =	sadd.s32 s22, s5  }
0x7: {  	[tilespmem:s2], [sflag:$0x1] =	stream.linear.gather [hbm4b:s3+s2], $0xC800, $0x38;
	[tilespmem:$0x19000] =	vst v63  }
0x8: {  	_ =	swait.ge [sflag:s4], $0xC800  }
0x9: {  	s23 =	sshrl.u32 s6, $0x3;
	[sflag:s4] =	ssyncset.done $0x0  }
0xa: {  	s5 =	sadd.s32 s26, s5;
	s9 =	sadd.s32 $0x32000, s23;
	[sflag:s4] =	ssyncadd.s32 $0xFFFF3800  }
0xb: {  	[hbm4b:s5+s2] =	stream.linear.scatter [tilespmem:s2], [sflag:$0x3], $0xC800, $0x38;
	[tilespmem:$0x19000] =	vst v63  }
0xc: {  	s7 =	simm.s32 $0xC800;
	s8 =	simm.s32 $0x2;
	s6 =	sadd.s32 s22, s9  }
0xd: {  	[tilespmem:s7], [sflag:$0x2] =	stream.linear.gather [hbm4b:s6+s2], $0xC800, $0x38;
	[tilespmem:$0x19000] =	vst v63  }
0xe: {  	_ =	swait.ge [sflag:s8], $0xC800  }
0xf: {  	[sflag:s8] =	ssyncset.done $0x0  }
0x10: {  	s10 =	simm.s32 $0x3;
	s9 =	sadd.s32 s26, s9;
	[sflag:s8] =	ssyncadd.s32 $0xFFFF3800  }
0x11: {  	[hbm4b:s9+s2] =	stream.linear.scatter [tilespmem:s7], [sflag:$0x4], $0xC800, $0x38;
	[tilespmem:$0x19000] =	vst v63  }
0x12: {  	_ =	swait.ge [sflag:s10], $0xC800  }
0x13: {  	s12 =	sadd.s32 $0x64000, s23;
	[sflag:s10] =	ssyncset.done $0x0  }
0x14: {  	s11 =	sadd.s32 s22, s12;
	[sflag:s10] =	ssyncadd.s32 $0xFFFF3800  }
0x15: {  	[tilespmem:s2], [sflag:$0x1] =	stream.linear.gather [hbm4b:s11+s2], $0xC800, $0x38;
	[tilespmem:$0x19000] =	vst v63  }
0x16: {  	_ =	swait.ge [sflag:s4], $0xC800  }
0x17: {  	[sflag:s4] =	ssyncset.done $0x0  }
0x18: {  	s13 =	simm.s32 $0x4;
	s12 =	sadd.s32 s26, s12;
	[sflag:s4] =	ssyncadd.s32 $0xFFFF3800  }
0x19: {  	[hbm4b:s12+s2] =	stream.linear.scatter [tilespmem:s2], [sflag:$0x3], $0xC800, $0x38;
	[tilespmem:$0x19000] =	vst v63  }
0x1a: {  	_ =	swait.ge [sflag:s13], $0xC800  }
0x1b: {  	s15 =	sadd.s32 $0x96000, s23;
	[sflag:s13] =	ssyncset.done $0x0  }
0x1c: {  	s14 =	sadd.s32 s22, s15;
	[sflag:s13] =	ssyncadd.s32 $0xFFFF3800  }
0x1d: {  	[tilespmem:s7], [sflag:$0x2] =	stream.linear.gather [hbm4b:s14+s2], $0xC800, $0x38;
	[tilespmem:$0x19000] =	vst v63  }
0x1e: {  	_ =	swait.ge [sflag:s8], $0xC800  }
0x1f: {  	[sflag:s8] =	ssyncset.done $0x0  }
0x20: {  	s15 =	sadd.s32 s26, s15;
	[sflag:s8] =	ssyncadd.s32 $0xFFFF3800  }
0x21: {  	[hbm4b:s15+s2] =	stream.linear.scatter [tilespmem:s7], [sflag:$0x4], $0xC800, $0x38;
	[tilespmem:$0x19000] =	vst v63  }
0x22: {  	_ =	swait.ge [sflag:s10], $0xC800  }
0x23: {  	s17 =	sadd.s32 $0xC8000, s23;
	[sflag:s10] =	ssyncset.done $0x0  }
0x24: {  	s16 =	sadd.s32 s22, s17;
	[sflag:s10] =	ssyncadd.s32 $0xFFFF3800  }
0x25: {  	[tilespmem:s2], [sflag:$0x1] =	stream.linear.gather [hbm4b:s16+s2], $0xC800, $0x38;
	[tilespmem:$0x19000] =	vst v63  }
0x26: {  	_ =	swait.ge [sflag:s4], $0xC800  }
0x27: {  	[sflag:s4] =	ssyncset.done $0x0  }
0x28: {  	s17 =	sadd.s32 s26, s17;
	[sflag:s4] =	ssyncadd.s32 $0xFFFF3800  }
0x29: {  	[hbm4b:s17+s2] =	stream.linear.scatter [tilespmem:s2], [sflag:$0x3], $0xC800, $0x38;
	[tilespmem:$0x19000] =	vst v63  }
0x2a: {  	_ =	swait.ge [sflag:s13], $0xC800  }
0x2b: {  	s19 =	sadd.s32 $0xFA000, s23;
	[sflag:s13] =	ssyncset.done $0x0  }
0x2c: {  	s18 =	sadd.s32 s22, s19;
	[sflag:s13] =	ssyncadd.s32 $0xFFFF3800  }
0x2d: {  	[tilespmem:s7], [sflag:$0x2] =	stream.linear.gather [hbm4b:s18+s2], $0xC800, $0x38;
	[tilespmem:$0x19000] =	vst v63  }
0x2e: {  	_ =	swait.ge [sflag:s8], $0xC800  }
0x2f: {  	[sflag:s8] =	ssyncset.done $0x0  }
0x30: {  	s19 =	sadd.s32 s26, s19;
	[sflag:s8] =	ssyncadd.s32 $0xFFFF3800  }
0x31: {  	[hbm4b:s19+s2] =	stream.linear.scatter [tilespmem:s7], [sflag:$0x4], $0xC800, $0x38;
	[tilespmem:$0x19000] =	vst v63  }
0x32: {  	_ =	swait.ge [sflag:s10], $0xC800  }
0x33: {  	s21 =	sadd.s32 $0x12C000, s23;
	[sflag:s10] =	ssyncset.done $0x0  }
0x34: {  	s20 =	sadd.s32 s22, s21;
	[sflag:s10] =	ssyncadd.s32 $0xFFFF3800  }
0x35: {  	[tilespmem:s2], [sflag:$0x1] =	stream.linear.gather [hbm4b:s20+s2], $0xC800, $0x38;
	[tilespmem:$0x19000] =	vst v63  }
0x36: {  	p0 =	sgt.u32 s0, $0xC;
	_ =	swait.ge [sflag:s4], $0xC800  }
0x37: {  	s24 =	simm.s32 @!p0 $0xC800;
	s29 =	sadd.s32 $0x15E000, s23;
	[sflag:s4] =	ssyncset.done $0x0  }
0x38: {  	s21 =	sadd.s32 s26, s21;
	s22 =	sadd.s32 s22, s29;
	[sflag:s4] =	ssyncadd.s32 $0xFFFF3800  }
0x39: {  	[hbm4b:s21+s2] =	stream.linear.scatter [tilespmem:s2], [sflag:$0x3], $0xC800, $0x38;
	[tilespmem:$0x19000] =	vst v63  }
0x3a: {  	s26 =	sadd.s32 s26, s29;
	s29 =	ssub.s32 $0x2, s28;
	_ =	swait.ge [sflag:s13], $0xC800  }
0x3b: {  	s25 =	simm.s32 @!p0 $0x2;
	s30 =	sshrl.u32 s29, $0x1;
	[sflag:s13] =	ssyncset.done $0x0  }
0x3c: {  	s23 =	simm.s32 @!p0 $0x0;
	s29 =	ssub.s32 s29, s30;
	[sflag:s13] =	ssyncadd.s32 $0xFFFF3800  }
0x3d: {  	[tilespmem:s24], [sflag:$0x2] =	stream.linear.gather @!p0 [hbm4b:s22+s23], $0xC800, $0x38;
	[tilespmem:$0x19000] =	vst v63  }
0x3e: {  	s30 =	smax.u32 s29, $0x1;
	_ =	swait.ge @!p0 [sflag:s25], $0xC800  }
0x3f: {  	s30 =	sadd.s32 $0xFFFFFFFF, s30;
	[sflag:s25] =	ssyncset.done @!p0 $0x0  }
0x40: {  	s28 =	simm.s32 @!p0 $0x3;
	p1 =	sne.s32 s30, $0x0;
	[sflag:s25] =	ssyncadd.s32 @!p0 $0xFFFF3800  }
0x41: {  	[hbm4b:s26+s23] =	stream.linear.scatter @!p0 [tilespmem:s24], [sflag:$0x4], $0xC800, $0x38;
	[tilespmem:$0x19000] =	vst v63  }
.Ltmp0:
0x42: {  	_ =	swait.ge @!p0 [sflag:s28], $0xC800;
	(pc) =	sbr.rel @!p1 .LBB2_2-.Ltmp0, $4  }
0x43: {  	s29 =	simm.s32 @!p0 $0x4;
	[sflag:s28] =	ssyncset.done @!p0 $0x0  }
0x44: {  	s29 =	simm.s32 @p0 $0x3;
	[sflag:s28] =	ssyncadd.s32 @!p0 $0xFFFF3800  }
0x45: {  	_ =	swait.ge [sflag:s29], $0xC800  }
0x46: {  	[sflag:s29] =	ssyncset.done $0x0  }
.LBB2_1:
0x47: {  	s30 =	sadd.s32 $0xFFFFFFFF, s30;
	[sflag:s29] =	ssyncadd.s32 $0xFFFF3800  }
0x48: {  	[tilespmem:s2], [sflag:$0x1] =	stream.linear.gather [hbm4b:s3+s2], $0xC800, $0x38;
	[tilespmem:$0x19000] =	vst v63  }
0x49: {  	p1 =	sne.s32 s30, $0x0;
	_ =	swait.ge [sflag:s4], $0xC800  }
0x4a: {  	[sflag:s4] =	ssyncset.done $0x0  }
0x4b: {  	[sflag:s4] =	ssyncadd.s32 $0xFFFF3800  }
0x4c: {  	[hbm4b:s5+s2] =	stream.linear.scatter [tilespmem:s2], [sflag:$0x3], $0xC800, $0x38;
	[tilespmem:$0x19000] =	vst v63  }
0x4d: {  	_ = 	snop  }
0x4e: {  	[tilespmem:s7], [sflag:$0x2] =	stream.linear.gather [hbm4b:s6+s2], $0xC800, $0x38;
	[tilespmem:$0x19000] =	vst v63  }
0x4f: {  	_ =	swait.ge [sflag:s8], $0xC800  }
0x50: {  	[sflag:s8] =	ssyncset.done $0x0  }
0x51: {  	[sflag:s8] =	ssyncadd.s32 $0xFFFF3800  }
0x52: {  	[hbm4b:s9+s2] =	stream.linear.scatter [tilespmem:s7], [sflag:$0x4], $0xC800, $0x38;
	[tilespmem:$0x19000] =	vst v63  }
0x53: {  	_ =	swait.ge [sflag:s10], $0xC800  }
0x54: {  	[sflag:s10] =	ssyncset.done $0x0  }
0x55: {  	[sflag:s10] =	ssyncadd.s32 $0xFFFF3800  }
0x56: {  	[tilespmem:s2], [sflag:$0x1] =	stream.linear.gather [hbm4b:s11+s2], $0xC800, $0x38;
	[tilespmem:$0x19000] =	vst v63  }
0x57: {  	_ =	swait.ge [sflag:s4], $0xC800  }
0x58: {  	[sflag:s4] =	ssyncset.done $0x0  }
0x59: {  	[sflag:s4] =	ssyncadd.s32 $0xFFFF3800  }
0x5a: {  	[hbm4b:s12+s2] =	stream.linear.scatter [tilespmem:s2], [sflag:$0x3], $0xC800, $0x38;
	[tilespmem:$0x19000] =	vst v63  }
0x5b: {  	_ =	swait.ge [sflag:s13], $0xC800  }
0x5c: {  	[sflag:s13] =	ssyncset.done $0x0  }
0x5d: {  	[sflag:s13] =	ssyncadd.s32 $0xFFFF3800  }
0x5e: {  	[tilespmem:s7], [sflag:$0x2] =	stream.linear.gather [hbm4b:s14+s2], $0xC800, $0x38;
	[tilespmem:$0x19000] =	vst v63  }
0x5f: {  	_ =	swait.ge [sflag:s8], $0xC800  }
0x60: {  	[sflag:s8] =	ssyncset.done $0x0  }
0x61: {  	[sflag:s8] =	ssyncadd.s32 $0xFFFF3800  }
0x62: {  	[hbm4b:s15+s2] =	stream.linear.scatter [tilespmem:s7], [sflag:$0x4], $0xC800, $0x38;
	[tilespmem:$0x19000] =	vst v63  }
0x63: {  	_ =	swait.ge [sflag:s10], $0xC800  }
0x64: {  	[sflag:s10] =	ssyncset.done $0x0  }
0x65: {  	[sflag:s10] =	ssyncadd.s32 $0xFFFF3800  }
0x66: {  	[tilespmem:s2], [sflag:$0x1] =	stream.linear.gather [hbm4b:s16+s2], $0xC800, $0x38;
	[tilespmem:$0x19000] =	vst v63  }
0x67: {  	_ =	swait.ge [sflag:s4], $0xC800  }
0x68: {  	[sflag:s4] =	ssyncset.done $0x0  }
0x69: {  	[sflag:s4] =	ssyncadd.s32 $0xFFFF3800  }
0x6a: {  	[hbm4b:s17+s2] =	stream.linear.scatter [tilespmem:s2], [sflag:$0x3], $0xC800, $0x38;
	[tilespmem:$0x19000] =	vst v63  }
0x6b: {  	_ =	swait.ge [sflag:s13], $0xC800  }
0x6c: {  	[sflag:s13] =	ssyncset.done $0x0  }
0x6d: {  	[sflag:s13] =	ssyncadd.s32 $0xFFFF3800  }
0x6e: {  	[tilespmem:s7], [sflag:$0x2] =	stream.linear.gather [hbm4b:s18+s2], $0xC800, $0x38;
	[tilespmem:$0x19000] =	vst v63  }
0x6f: {  	_ =	swait.ge [sflag:s8], $0xC800  }
0x70: {  	[sflag:s8] =	ssyncset.done $0x0  }
0x71: {  	[sflag:s8] =	ssyncadd.s32 $0xFFFF3800  }
0x72: {  	[hbm4b:s19+s2] =	stream.linear.scatter [tilespmem:s7], [sflag:$0x4], $0xC800, $0x38;
	[tilespmem:$0x19000] =	vst v63  }
0x73: {  	_ =	swait.ge [sflag:s10], $0xC800  }
0x74: {  	[sflag:s10] =	ssyncset.done $0x0  }
0x75: {  	[sflag:s10] =	ssyncadd.s32 $0xFFFF3800  }
0x76: {  	[tilespmem:s2], [sflag:$0x1] =	stream.linear.gather [hbm4b:s20+s2], $0xC800, $0x38;
	[tilespmem:$0x19000] =	vst v63  }
0x77: {  	_ =	swait.ge [sflag:s4], $0xC800  }
0x78: {  	[sflag:s4] =	ssyncset.done $0x0  }
0x79: {  	[sflag:s4] =	ssyncadd.s32 $0xFFFF3800  }
0x7a: {  	[hbm4b:s21+s2] =	stream.linear.scatter [tilespmem:s2], [sflag:$0x3], $0xC800, $0x38;
	[tilespmem:$0x19000] =	vst v63  }
0x7b: {  	_ =	swait.ge [sflag:s13], $0xC800  }
0x7c: {  	[sflag:s13] =	ssyncset.done $0x0  }
0x7d: {  	[sflag:s13] =	ssyncadd.s32 $0xFFFF3800  }
0x7e: {  	[tilespmem:s24], [sflag:$0x2] =	stream.linear.gather @!p0 [hbm4b:s22+s23], $0xC800, $0x38;
	[tilespmem:$0x19000] =	vst v63  }
0x7f: {  	_ =	swait.ge @!p0 [sflag:s25], $0xC800  }
0x80: {  	[sflag:s25] =	ssyncset.done @!p0 $0x0  }
0x81: {  	[sflag:s25] =	ssyncadd.s32 @!p0 $0xFFFF3800  }
0x82: {  	[hbm4b:s26+s23] =	stream.linear.scatter @!p0 [tilespmem:s24], [sflag:$0x4], $0xC800, $0x38;
	[tilespmem:$0x19000] =	vst v63  }
.Ltmp1:
0x83: {  	_ =	swait.ge @!p0 [sflag:s28], $0xC800;
	(pc) =	sbr.rel @p1 .LBB2_1-.Ltmp1, $4  }
0x84: {  	[sflag:s28] =	ssyncset.done @!p0 $0x0  }
0x85: {  	[sflag:s28] =	ssyncadd.s32 @!p0 $0xFFFF3800  }
0x86: {  	_ =	swait.ge [sflag:s29], $0xC800  }
0x87: {  	[sflag:s29] =	ssyncset.done $0x0  }
.LBB2_2:
0x88: {  	[sflag:s29] =	ssyncadd.s32 $0xFFFF3800  }
0x89: {  	_ =	sfence.sel $0x180000  }
0x8a: {  	[bflag:$0x0] =	sbarrier.arrive $0xFFFF  }
0x8b: {  	p0 =	sne.s32 s0, $0x0;
	_ =	strace $0x90000047  }
0x8c: {  	s0 =	sadd.s32 @!p0 $0x100000, s1;
	[bflag:$0x2] =	sbarrier.arrive $0xFFFF  }
0x8d: {  	[sflag:s0] =	ssyncadd.tile.s32 @!p0 $0x1;
	_ =	shalt  }
.Lfunc_end2:
_tile_overlayer_lowered:
.L_overlay_start_2:
0x8e: {  	(tag) =	ssettag $0x2  }
0x8f: {  	s0 =	rddreg [dreg:$0x0];
	s2 =	stileid.u32  }
0x90: {  	s1 =	rddreg [dreg:$0x1];
	p0 =	sne.s32 s2, $0x0  }
0x91: {  	s3 =	rddreg [dreg:$0x2];
	[bflag:$0x3] =	sbarrier.arrive $0xFFFF;
	s2 =	simm.s32 @!p0 $0x1C05  }
0x92: {  	[timem:s3], [sflag:s2] =	dma.local @!p0 [hbm:s0], s1  }
0x93: {  	s0 =	simm.s32 @!p0 $0x5  }
0x94: {  	_ =	swait.ge @!p0 [sflag:s0], s1  }
0x95: {  	s1 =	ssub.s32 @!p0 $0x0, s1;
	[sflag:s0] =	ssyncset.done @!p0 $0x0  }
0x96: {  	[sflag:s0] =	ssyncadd.s32 @!p0 s1  }
0x97: {  	[bflag:$0x3] =	sbarrier.arrive $0xFFFF  }
0x98: {  	_ =	shalt  }

</sc_bundles>
